<compile_context>
chip_gen: v7x
topology: tpu7x:2x2x1
jax: 0.10.2.dev20260603
libtpu: 0.0.44.dev20260713+nightly
codegen_flags: <defaults>
</compile_context>

<pallas_src>
import functools

import jax
import jax.numpy as jnp
from jax import lax
from jax.experimental import pallas as pl
from jax.experimental.pallas import tpu as pltpu
from jax.experimental.pallas import tpu_sc as plsc

_LANES = 16
_NUM_WORKERS = 32


def kernel(counts_mol, molar_ratios, vis):
    del counts_mol
    B, D = vis.shape
    rows_per_worker = B // _NUM_WORKERS
    chunk = 16
    n_chunks = rows_per_worker // chunk
    n_pairs = n_chunks // 2

    mesh = plsc.VectorSubcoreMesh(core_axis_name="c", subcore_axis_name="s")

    @functools.partial(
        pl.kernel,
        mesh=mesh,
        out_type=jax.ShapeDtypeStruct((B, D), jnp.float32),
        scratch_types=[
            pltpu.VMEM((chunk, D), jnp.float32),
            pltpu.VMEM((chunk, D), jnp.float32),
            pltpu.VMEM((chunk, D), jnp.float32),
            pltpu.VMEM((chunk, D), jnp.float32),
            pltpu.VMEM((rows_per_worker, _LANES), jnp.float32),
            pltpu.SemaphoreType.DMA,
            pltpu.SemaphoreType.DMA,
            pltpu.SemaphoreType.DMA,
            pltpu.SemaphoreType.DMA,
        ],
    )
    def sc_scale(mr_hbm, vis_hbm, out_hbm, in0, in1, ot0, ot1, mr_v,
                 in_sem0, in_sem1, out_sem0, out_sem1):
        wid = lax.axis_index("s") * 2 + lax.axis_index("c")
        base = wid * rows_per_worker

        def vis_rows(g):
            return vis_hbm.at[pl.ds(base + g * chunk, chunk)]

        def out_rows(g):
            return out_hbm.at[pl.ds(base + g * chunk, chunk)]

        def scale(inb, otb, g):
            del inb, otb, g

        pltpu.sync_copy(mr_hbm.at[pl.ds(base, rows_per_worker)], mr_v)
        pltpu.make_async_copy(vis_rows(0), in0, in_sem0).start()
        pltpu.make_async_copy(vis_rows(1), in1, in_sem1).start()

        def pair(t, carry):
            a = t * 2
            b = a + 1
            pltpu.make_async_copy(vis_rows(a), in0, in_sem0).wait()

            @pl.when(t > 0)
            def _():
                pltpu.make_async_copy(in0, out_rows(a - 2), out_sem0).wait()

            scale(in0, ot0, a)
            pltpu.make_async_copy(in0, out_rows(a), out_sem0).start()

            @pl.when(t + 1 < n_pairs)
            def _():
                pltpu.make_async_copy(vis_rows(a + 2), in0, in_sem0).start()

            pltpu.make_async_copy(vis_rows(b), in1, in_sem1).wait()

            @pl.when(t > 0)
            def _():
                pltpu.make_async_copy(in1, out_rows(b - 2), out_sem1).wait()

            scale(in1, ot1, b)
            pltpu.make_async_copy(in1, out_rows(b), out_sem1).start()

            @pl.when(t + 1 < n_pairs)
            def _():
                pltpu.make_async_copy(vis_rows(b + 2), in1, in_sem1).start()

            return carry

        lax.fori_loop(0, n_pairs, pair, 0)
        pltpu.make_async_copy(in0, out_rows(n_chunks - 2), out_sem0).wait()
        pltpu.make_async_copy(in1, out_rows(n_chunks - 1), out_sem1).wait()

    mr_lanes = jnp.broadcast_to(molar_ratios, (B, _LANES))
    return sc_scale(mr_lanes, vis)

# --- scband reference (transcript-rebuilt; emitter-appended) ---
"""Pipeline reference for scband-vis-aggr-57320633532582 (READ-ONLY COPY).

The authoritative reference and input builder live on the scoring server;
editing this copy changes nothing except your own understanding.
"""

import jax, jax.numpy as jnp
import numpy as np

B = 4096
D = 1024
MAX_NODES = 12


def to_dense_batch(x, batch, fill_value, max_num_nodes, num_graphs):
    # faithful port of torch_geometric.utils.to_dense_batch
    counts = jnp.bincount(batch, length=num_graphs)
    offsets = jnp.concatenate([jnp.zeros((1,), dtype=counts.dtype), jnp.cumsum(counts)[:-1]])
    pos = jnp.arange(batch.shape[0], dtype=batch.dtype) - offsets[batch]
    dense = jnp.full((num_graphs, max_num_nodes) + x.shape[1:], fill_value, dtype=x.dtype)
    dense = dense.at[batch, pos].set(x)
    mask = jnp.zeros((num_graphs, max_num_nodes), dtype=bool).at[batch, pos].set(True)
    return dense, mask


def setup_inputs(seed: int = 0) -> dict:
    key = jax.random.key(seed)
    k1, k2 = jax.random.split(key)
    counts_mol = jnp.ones((B, 1), dtype=jnp.int32)  # each mixture has exactly 1 component -> sum == total_nodes == B
    molar_ratios = jax.random.uniform(k1, (B, 1), dtype=jnp.float32)
    vis = jax.random.normal(k2, (B, D), dtype=jnp.float32)
    return {"counts_mol": counts_mol, "molar_ratios": molar_ratios, "vis": vis}


def reference(counts_mol, molar_ratios, vis):
    node_count_formula = counts_mol[:, 0]
    nb = node_count_formula.shape[0]
    node_batch_formula = jnp.repeat(
        jnp.arange(nb, dtype=jnp.int32), node_count_formula,
        total_repeat_length=molar_ratios.shape[0])
    mr_dense, _ = to_dense_batch(molar_ratios, node_batch_formula, 0.0, MAX_NODES, nb)
    vis_dense, _ = to_dense_batch(vis, node_batch_formula, 0.0, MAX_NODES, nb)
    vis_mix = jnp.matmul(jnp.swapaxes(mr_dense, 1, 2), vis_dense)  # [B, r, d]
    return jnp.squeeze(vis_mix)

if __name__ == "__main__":
    import jax
    _d = setup_inputs()
    print(jax.jit(kernel)(*tuple(_d.values())))

</pallas_src>

<mosaic_0001>
#map = affine_map<(d0, d1) -> (0, 0)>
module attributes {stable_mosaic.version = 14 : i64} {
  func.func @sc_scale(%arg0: i32, %arg1: i32, %arg2: memref<4096x16xf32, #tpu.memory_space<hbm>>, %arg3: memref<4096x1024xf32, #tpu.memory_space<hbm>>, %arg4: memref<4096x1024xf32, #tpu.memory_space<hbm>>, %arg5: memref<16x1024xf32, #tpu.memory_space<vmem>>, %arg6: memref<16x1024xf32, #tpu.memory_space<vmem>>, %arg7: memref<16x1024xf32, #tpu.memory_space<vmem>>, %arg8: memref<16x1024xf32, #tpu.memory_space<vmem>>, %arg9: memref<128x16xf32, #tpu.memory_space<vmem>>, %arg10: memref<!tpu.dma_semaphore, #tpu.memory_space<semaphore_mem>>, %arg11: memref<!tpu.dma_semaphore, #tpu.memory_space<semaphore_mem>>, %arg12: memref<!tpu.dma_semaphore, #tpu.memory_space<semaphore_mem>>, %arg13: memref<!tpu.dma_semaphore, #tpu.memory_space<semaphore_mem>>) attributes {dimension_semantics = [#tpu.dimension_semantics<core_parallel>, #tpu.dimension_semantics<subcore_parallel>], iteration_bounds = array<i64: 2, 16>, scalar_prefetch = 0 : i64, scratch_operands = 9 : i64, tpu.core_type = #tpu.core_type<sc_vector_subcore>, window_params = [{transform_indices = #map}, {transform_indices = #map}, {transform_indices = #map}]} {
    %mul3A = arith.constant 2 : i32
    %mul3A_0 = arith.muli %arg1, %mul3A : i32
    %add3A = arith.addi %mul3A_0, %arg0 : i32
    %mul3A_1 = arith.constant 128 : i32
    %mul3A_2 = arith.muli %add3A, %mul3A_1 : i32
    "tpu.region"() ({
      %run_scoped3A = tpu.sem_alloc : memref<!tpu.dma_semaphore, #tpu.memory_space<semaphore_mem>>
      %dma_start3A_30 = arith.constant 0 : i32
      %dma_start3A_31 = tpu.memref_slice %arg2[%mul3A_2, %dma_start3A_30] : memref<4096x16xf32, #tpu.memory_space<hbm>> -> memref<128x16xf32, #tpu.memory_space<hbm>>
      %dma_start3A_32 = arith.constant 0 : i32
      %dma_start3A_33 = tpu.memref_slice %arg2[%mul3A_2, %dma_start3A_32] : memref<4096x16xf32, #tpu.memory_space<hbm>> -> memref<128x16xf32, #tpu.memory_space<hbm>>
      tpu.enqueue_dma source(%dma_start3A_33 : memref<128x16xf32, #tpu.memory_space<hbm>>) target(%arg9 : memref<128x16xf32, #tpu.memory_space<vmem>>) target_semaphore(%run_scoped3A : memref<!tpu.dma_semaphore, #tpu.memory_space<semaphore_mem>>)
      %dma_wait3A_34 = arith.constant 0 : i32
      %dma_wait3A_35 = tpu.memref_slice %arg2[%mul3A_2, %dma_wait3A_34] : memref<4096x16xf32, #tpu.memory_space<hbm>> -> memref<128x16xf32, #tpu.memory_space<hbm>>
      %dma_wait3A_36 = arith.constant 0 : i32
      %dma_wait3A_37 = tpu.memref_slice %arg2[%mul3A_2, %dma_wait3A_36] : memref<4096x16xf32, #tpu.memory_space<hbm>> -> memref<128x16xf32, #tpu.memory_space<hbm>>
      tpu.wait_dma2 semaphore(%run_scoped3A : memref<!tpu.dma_semaphore, #tpu.memory_space<semaphore_mem>>) src(%dma_wait3A_37 : memref<128x16xf32, #tpu.memory_space<hbm>>) dst(%arg9 : memref<128x16xf32, #tpu.memory_space<vmem>>)
      tpu.yield
    }) : () -> ()
    %add3A_3 = arith.constant 0 : i32
    %add3A_4 = arith.addi %mul3A_2, %add3A_3 : i32
    %dma_start3A = arith.constant 0 : i32
    %dma_start3A_5 = tpu.memref_slice %arg3[%add3A_4, %dma_start3A] : memref<4096x1024xf32, #tpu.memory_space<hbm>> -> memref<16x1024xf32, #tpu.memory_space<hbm>>
    %dma_start3A_6 = arith.constant 0 : i32
    %dma_start3A_7 = tpu.memref_slice %arg3[%add3A_4, %dma_start3A_6] : memref<4096x1024xf32, #tpu.memory_space<hbm>> -> memref<16x1024xf32, #tpu.memory_space<hbm>>
    tpu.enqueue_dma source(%dma_start3A_7 : memref<16x1024xf32, #tpu.memory_space<hbm>>) target(%arg5 : memref<16x1024xf32, #tpu.memory_space<vmem>>) target_semaphore(%arg10 : memref<!tpu.dma_semaphore, #tpu.memory_space<semaphore_mem>>)
    %add3A_8 = arith.constant 16 : i32
    %add3A_9 = arith.addi %mul3A_2, %add3A_8 : i32
    %dma_start3A_10 = arith.constant 0 : i32
    %dma_start3A_11 = tpu.memref_slice %arg3[%add3A_9, %dma_start3A_10] : memref<4096x1024xf32, #tpu.memory_space<hbm>> -> memref<16x1024xf32, #tpu.memory_space<hbm>>
    %dma_start3A_12 = arith.constant 0 : i32
    %dma_start3A_13 = tpu.memref_slice %arg3[%add3A_9, %dma_start3A_12] : memref<4096x1024xf32, #tpu.memory_space<hbm>> -> memref<16x1024xf32, #tpu.memory_space<hbm>>
    tpu.enqueue_dma source(%dma_start3A_13 : memref<16x1024xf32, #tpu.memory_space<hbm>>) target(%arg6 : memref<16x1024xf32, #tpu.memory_space<vmem>>) target_semaphore(%arg11 : memref<!tpu.dma_semaphore, #tpu.memory_space<semaphore_mem>>)
    %scan3A = arith.constant 0 : i32
    %scan3A_14 = arith.constant 0 : i32
    %scan3A_15 = arith.constant 4 : i32
    %scan3A_16 = arith.addi %scan3A_14, %scan3A_15 : i32
    %scan3A_17 = arith.constant 1 : i32
    scf.for %scan3A_30 = %scan3A_14 to %scan3A_16 step %scan3A_17  : i32 {
      %mul3A_31 = arith.constant 2 : i32
      %mul3A_32 = arith.muli %scan3A_30, %mul3A_31 : i32
      %add3A_33 = arith.constant 1 : i32
      %add3A_34 = arith.addi %mul3A_32, %add3A_33 : i32
      %mul3A_35 = arith.constant 16 : i32
      %mul3A_36 = arith.muli %mul3A_32, %mul3A_35 : i32
      %add3A_37 = arith.addi %mul3A_2, %mul3A_36 : i32
      %dma_wait3A_38 = arith.constant 0 : i32
      %dma_wait3A_39 = tpu.memref_slice %arg3[%add3A_37, %dma_wait3A_38] : memref<4096x1024xf32, #tpu.memory_space<hbm>> -> memref<16x1024xf32, #tpu.memory_space<hbm>>
      %dma_wait3A_40 = arith.constant 0 : i32
      %dma_wait3A_41 = tpu.memref_slice %arg3[%add3A_37, %dma_wait3A_40] : memref<4096x1024xf32, #tpu.memory_space<hbm>> -> memref<16x1024xf32, #tpu.memory_space<hbm>>
      tpu.wait_dma2 semaphore(%arg10 : memref<!tpu.dma_semaphore, #tpu.memory_space<semaphore_mem>>) src(%dma_wait3A_41 : memref<16x1024xf32, #tpu.memory_space<hbm>>) dst(%arg5 : memref<16x1024xf32, #tpu.memory_space<vmem>>)
      %gt3A = arith.constant 0 : i32
      %gt3A_42 = arith.cmpi sgt, %scan3A_30, %gt3A : i32
      %convert_element_type3A = arith.extui %gt3A_42 : i1 to i32
      %cond3A = arith.constant 0 : i32
      %cond3A_43 = arith.cmpi ne, %convert_element_type3A, %cond3A : i32
      scf.if %cond3A_43 {
        %sub3A = arith.constant 2 : i32
        %sub3A_83 = arith.subi %mul3A_32, %sub3A : i32
        %mul3A_84 = arith.constant 16 : i32
        %mul3A_85 = arith.muli %sub3A_83, %mul3A_84 : i32
        %add3A_86 = arith.addi %mul3A_2, %mul3A_85 : i32
        %dma_wait3A_87 = arith.constant 0 : i32
        %dma_wait3A_88 = tpu.memref_slice %arg4[%add3A_86, %dma_wait3A_87] : memref<4096x1024xf32, #tpu.memory_space<hbm>> -> memref<16x1024xf32, #tpu.memory_space<hbm>>
        %dma_wait3A_89 = arith.constant 0 : i32
        %dma_wait3A_90 = tpu.memref_slice %arg4[%add3A_86, %dma_wait3A_89] : memref<4096x1024xf32, #tpu.memory_space<hbm>> -> memref<16x1024xf32, #tpu.memory_space<hbm>>
        tpu.wait_dma2 semaphore(%arg12 : memref<!tpu.dma_semaphore, #tpu.memory_space<semaphore_mem>>) src(%arg5 : memref<16x1024xf32, #tpu.memory_space<vmem>>) dst(%dma_wait3A_90 : memref<16x1024xf32, #tpu.memory_space<hbm>>)
      } else {
      }
      %mul3A_44 = arith.constant 16 : i32
      %mul3A_45 = arith.muli %mul3A_32, %mul3A_44 : i32
      %add3A_46 = arith.addi %mul3A_2, %mul3A_45 : i32
      %dma_start3A_47 = arith.constant 0 : i32
      %dma_start3A_48 = tpu.memref_slice %arg4[%add3A_46, %dma_start3A_47] : memref<4096x1024xf32, #tpu.memory_space<hbm>> -> memref<16x1024xf32, #tpu.memory_space<hbm>>
      %dma_start3A_49 = arith.constant 0 : i32
      %dma_start3A_50 = tpu.memref_slice %arg4[%add3A_46, %dma_start3A_49] : memref<4096x1024xf32, #tpu.memory_space<hbm>> -> memref<16x1024xf32, #tpu.memory_space<hbm>>
      tpu.enqueue_dma source(%arg5 : memref<16x1024xf32, #tpu.memory_space<vmem>>) target(%dma_start3A_50 : memref<16x1024xf32, #tpu.memory_space<hbm>>) target_semaphore(%arg12 : memref<!tpu.dma_semaphore, #tpu.memory_space<semaphore_mem>>)
      %add3A_51 = arith.constant 1 : i32
      %add3A_52 = arith.addi %scan3A_30, %add3A_51 : i32
      %lt3A = arith.constant 4 : i32
      %lt3A_53 = arith.cmpi slt, %add3A_52, %lt3A : i32
      %convert_element_type3A_54 = arith.extui %lt3A_53 : i1 to i32
      %cond3A_55 = arith.constant 0 : i32
      %cond3A_56 = arith.cmpi ne, %convert_element_type3A_54, %cond3A_55 : i32
      scf.if %cond3A_56 {
        %add3A_83 = arith.constant 2 : i32
        %add3A_84 = arith.addi %mul3A_32, %add3A_83 : i32
        %mul3A_85 = arith.constant 16 : i32
        %mul3A_86 = arith.muli %add3A_84, %mul3A_85 : i32
        %add3A_87 = arith.addi %mul3A_2, %mul3A_86 : i32
        %dma_start3A_88 = arith.constant 0 : i32
        %dma_start3A_89 = tpu.memref_slice %arg3[%add3A_87, %dma_start3A_88] : memref<4096x1024xf32, #tpu.memory_space<hbm>> -> memref<16x1024xf32, #tpu.memory_space<hbm>>
        %dma_start3A_90 = arith.constant 0 : i32
        %dma_start3A_91 = tpu.memref_slice %arg3[%add3A_87, %dma_start3A_90] : memref<4096x1024xf32, #tpu.memory_space<hbm>> -> memref<16x1024xf32, #tpu.memory_space<hbm>>
        tpu.enqueue_dma source(%dma_start3A_91 : memref<16x1024xf32, #tpu.memory_space<hbm>>) target(%arg5 : memref<16x1024xf32, #tpu.memory_space<vmem>>) target_semaphore(%arg10 : memref<!tpu.dma_semaphore, #tpu.memory_space<semaphore_mem>>)
      } else {
      }
      %mul3A_57 = arith.constant 16 : i32
      %mul3A_58 = arith.muli %add3A_34, %mul3A_57 : i32
      %add3A_59 = arith.addi %mul3A_2, %mul3A_58 : i32
      %dma_wait3A_60 = arith.constant 0 : i32
      %dma_wait3A_61 = tpu.memref_slice %arg3[%add3A_59, %dma_wait3A_60] : memref<4096x1024xf32, #tpu.memory_space<hbm>> -> memref<16x1024xf32, #tpu.memory_space<hbm>>
      %dma_wait3A_62 = arith.constant 0 : i32
      %dma_wait3A_63 = tpu.memref_slice %arg3[%add3A_59, %dma_wait3A_62] : memref<4096x1024xf32, #tpu.memory_space<hbm>> -> memref<16x1024xf32, #tpu.memory_space<hbm>>
      tpu.wait_dma2 semaphore(%arg11 : memref<!tpu.dma_semaphore, #tpu.memory_space<semaphore_mem>>) src(%dma_wait3A_63 : memref<16x1024xf32, #tpu.memory_space<hbm>>) dst(%arg6 : memref<16x1024xf32, #tpu.memory_space<vmem>>)
      %gt3A_64 = arith.constant 0 : i32
      %gt3A_65 = arith.cmpi sgt, %scan3A_30, %gt3A_64 : i32
      %convert_element_type3A_66 = arith.extui %gt3A_65 : i1 to i32
      %cond3A_67 = arith.constant 0 : i32
      %cond3A_68 = arith.cmpi ne, %convert_element_type3A_66, %cond3A_67 : i32
      scf.if %cond3A_68 {
        %sub3A = arith.constant 2 : i32
        %sub3A_83 = arith.subi %add3A_34, %sub3A : i32
        %mul3A_84 = arith.constant 16 : i32
        %mul3A_85 = arith.muli %sub3A_83, %mul3A_84 : i32
        %add3A_86 = arith.addi %mul3A_2, %mul3A_85 : i32
        %dma_wait3A_87 = arith.constant 0 : i32
        %dma_wait3A_88 = tpu.memref_slice %arg4[%add3A_86, %dma_wait3A_87] : memref<4096x1024xf32, #tpu.memory_space<hbm>> -> memref<16x1024xf32, #tpu.memory_space<hbm>>
        %dma_wait3A_89 = arith.constant 0 : i32
        %dma_wait3A_90 = tpu.memref_slice %arg4[%add3A_86, %dma_wait3A_89] : memref<4096x1024xf32, #tpu.memory_space<hbm>> -> memref<16x1024xf32, #tpu.memory_space<hbm>>
        tpu.wait_dma2 semaphore(%arg13 : memref<!tpu.dma_semaphore, #tpu.memory_space<semaphore_mem>>) src(%arg6 : memref<16x1024xf32, #tpu.memory_space<vmem>>) dst(%dma_wait3A_90 : memref<16x1024xf32, #tpu.memory_space<hbm>>)
      } else {
      }
      %mul3A_69 = arith.constant 16 : i32
      %mul3A_70 = arith.muli %add3A_34, %mul3A_69 : i32
      %add3A_71 = arith.addi %mul3A_2, %mul3A_70 : i32
      %dma_start3A_72 = arith.constant 0 : i32
      %dma_start3A_73 = tpu.memref_slice %arg4[%add3A_71, %dma_start3A_72] : memref<4096x1024xf32, #tpu.memory_space<hbm>> -> memref<16x1024xf32, #tpu.memory_space<hbm>>
      %dma_start3A_74 = arith.constant 0 : i32
      %dma_start3A_75 = tpu.memref_slice %arg4[%add3A_71, %dma_start3A_74] : memref<4096x1024xf32, #tpu.memory_space<hbm>> -> memref<16x1024xf32, #tpu.memory_space<hbm>>
      tpu.enqueue_dma source(%arg6 : memref<16x1024xf32, #tpu.memory_space<vmem>>) target(%dma_start3A_75 : memref<16x1024xf32, #tpu.memory_space<hbm>>) target_semaphore(%arg13 : memref<!tpu.dma_semaphore, #tpu.memory_space<semaphore_mem>>)
      %add3A_76 = arith.constant 1 : i32
      %add3A_77 = arith.addi %scan3A_30, %add3A_76 : i32
      %lt3A_78 = arith.constant 4 : i32
      %lt3A_79 = arith.cmpi slt, %add3A_77, %lt3A_78 : i32
      %convert_element_type3A_80 = arith.extui %lt3A_79 : i1 to i32
      %cond3A_81 = arith.constant 0 : i32
      %cond3A_82 = arith.cmpi ne, %convert_element_type3A_80, %cond3A_81 : i32
      scf.if %cond3A_82 {
        %add3A_83 = arith.constant 2 : i32
        %add3A_84 = arith.addi %add3A_34, %add3A_83 : i32
        %mul3A_85 = arith.constant 16 : i32
        %mul3A_86 = arith.muli %add3A_84, %mul3A_85 : i32
        %add3A_87 = arith.addi %mul3A_2, %mul3A_86 : i32
        %dma_start3A_88 = arith.constant 0 : i32
        %dma_start3A_89 = tpu.memref_slice %arg3[%add3A_87, %dma_start3A_88] : memref<4096x1024xf32, #tpu.memory_space<hbm>> -> memref<16x1024xf32, #tpu.memory_space<hbm>>
        %dma_start3A_90 = arith.constant 0 : i32
        %dma_start3A_91 = tpu.memref_slice %arg3[%add3A_87, %dma_start3A_90] : memref<4096x1024xf32, #tpu.memory_space<hbm>> -> memref<16x1024xf32, #tpu.memory_space<hbm>>
        tpu.enqueue_dma source(%dma_start3A_91 : memref<16x1024xf32, #tpu.memory_space<hbm>>) target(%arg6 : memref<16x1024xf32, #tpu.memory_space<vmem>>) target_semaphore(%arg11 : memref<!tpu.dma_semaphore, #tpu.memory_space<semaphore_mem>>)
      } else {
      }
    }
    %scan3A_18 = arith.constant 4 : i32
    %add3A_19 = arith.constant 96 : i32
    %add3A_20 = arith.addi %mul3A_2, %add3A_19 : i32
    %dma_wait3A = arith.constant 0 : i32
    %dma_wait3A_21 = tpu.memref_slice %arg4[%add3A_20, %dma_wait3A] : memref<4096x1024xf32, #tpu.memory_space<hbm>> -> memref<16x1024xf32, #tpu.memory_space<hbm>>
    %dma_wait3A_22 = arith.constant 0 : i32
    %dma_wait3A_23 = tpu.memref_slice %arg4[%add3A_20, %dma_wait3A_22] : memref<4096x1024xf32, #tpu.memory_space<hbm>> -> memref<16x1024xf32, #tpu.memory_space<hbm>>
    tpu.wait_dma2 semaphore(%arg12 : memref<!tpu.dma_semaphore, #tpu.memory_space<semaphore_mem>>) src(%arg5 : memref<16x1024xf32, #tpu.memory_space<vmem>>) dst(%dma_wait3A_23 : memref<16x1024xf32, #tpu.memory_space<hbm>>)
    %add3A_24 = arith.constant 112 : i32
    %add3A_25 = arith.addi %mul3A_2, %add3A_24 : i32
    %dma_wait3A_26 = arith.constant 0 : i32
    %dma_wait3A_27 = tpu.memref_slice %arg4[%add3A_25, %dma_wait3A_26] : memref<4096x1024xf32, #tpu.memory_space<hbm>> -> memref<16x1024xf32, #tpu.memory_space<hbm>>
    %dma_wait3A_28 = arith.constant 0 : i32
    %dma_wait3A_29 = tpu.memref_slice %arg4[%add3A_25, %dma_wait3A_28] : memref<4096x1024xf32, #tpu.memory_space<hbm>> -> memref<16x1024xf32, #tpu.memory_space<hbm>>
    tpu.wait_dma2 semaphore(%arg13 : memref<!tpu.dma_semaphore, #tpu.memory_space<semaphore_mem>>) src(%arg6 : memref<16x1024xf32, #tpu.memory_space<vmem>>) dst(%dma_wait3A_29 : memref<16x1024xf32, #tpu.memory_space<hbm>>)
    return
  }
}

</mosaic_0001>

<sc_bundles>
// kernel: kernel.3.cloned.1.call-start
scs
__scs_entry_jumppad:
0x0: {  	(pc) =	sbr.rel $0x88, $3  }
0x1: {  	(tag) =	ssettag $0x0;
	lr =	simm.s32 $0x1  }
0x2: {  	[smem:$0x3F9F] =	sst lr;
	_ =	strace $0xD0000000  }
0x3: {  	_ = 	snop  }
0x4: {  	_ = 	snop  }
0x5: {  	_ = 	snop  }
0x6: {  	_ = 	snop  }
0x7: {  	_ = 	snop  }
__scs_overlays_trampoline_lowered:
0x8: {  	[smem:$0x3FAE] =	sst s0  }
0x9: {  	[smem:$0x3FAF] =	sst s1  }
0xa: {  	[smem:$0x3FB0] =	sst s2  }
0xb: {  	[smem:$0x3FB1] =	sst s3  }
0xc: {  	[smem:$0x3FB2] =	sst s4  }
0xd: {  	[smem:$0x3FB3] =	sst s5  }
0xe: {  	[smem:$0x3FB4] =	sst s6  }
0xf: {  	[smem:$0x3FB5] =	sst s7  }
0x10: {  	[smem:$0x3FB6] =	sst s8  }
0x11: {  	[smem:$0x3FB7] =	sst s9;
	s0 =	simm.s32 @!p0 $0x0  }
0x12: {  	s1 =	sld [smem:$0x3F9D];
	s0 =	simm.s32 @p0 $0x1  }
0x13: {  	[smem:$0x3FB8] =	sst s0;
	s0 =	simm.s32 @!p1 $0x0  }
0x14: {  	s2 =	sld [smem:$0x3F9C];
	s0 =	simm.s32 @p1 $0x1  }
0x15: {  	[smem:$0x3FB9] =	sst s0;
	s0 =	simm.s32 @!p2 $0x0  }
0x16: {  	s3 =	sld [smem:$0x3FDB];
	s0 =	simm.s32 @p2 $0x1  }
0x17: {  	s4 =	simm.s32 $0x1BF5;
	[smem:$0x3FBB] =	sst s0  }
0x18: {  	s0 =	sld [smem:$0x3F9E];
	_ =	swait.ge [sflag:s4], $0x0  }
0x19: {  	s7 =	sld [smem:$0x3F9F]  }
0x1a: {  	s8 =	sadd.s32 $0xFFFFE003, lr  }
0x1b: {  	s9 =	sadd.s32 $0xFFFFFEF7, lr;
	s5 =	simm.s32 $0xFFFFFFFF;
	p2 =	slt.u32 s8, $0xFFFFF086  }
0x1c: {  	p1 =	slt.u32 s9, $0xF7A;
	s5 =	simm.s32 @!p2 $0x0  }
0x1d: {  	s5 =	simm.s32 @p1 $0x1;
	p0 =	seq.s32 s7, s2  }
0x1e: {  	s7 =	smul.u32 @!p0 $0xF7A, s2;
	p2 =	seq.s32 @!p0 s5, $0x0  }
0x1f: {  	s9 =	smul.u32 $0xF7A, s1;
	s8 =	simm.s32 @!p0 $0x1BF5;
	p2 =	por !p2, p0  }
0x20: {  	[sflag:s8] =	ssyncset.s32 @!p0 $0xFFFFF086;
	s6 =	sadd.s32 @!p0 s3, s7;
	s7 =	simm.s32 @!p0 $0x108  }
0x21: {  	s3 =	sadd.s32 s3, s9;
	s6 =	sadd.s32 @!p0 $0x88, s6;
	s7 =	simm.s32 @p2 $0x1082  }
0x22: {  	[simem:s7], [sflag:s8] =	dma.local @!p0 [hbm:s6], $0xF7A  }
0x23: {  	s9 =	sor.u32 $0xD0000000, s2;
	s6 =	simm.s32 $0x108;
	_ =	swait.ge @!p0 [sflag:s8], $0x0  }
0x24: {  	s3 =	sadd.s32 $0x88, s3;
	s6 =	simm.s32 @!p1 $0x1082;
	[sflag:s4] =	ssyncset.s32 $0xFFFFF086  }
0x25: {  	[simem:s6], [sflag:s4] =	dma.local [hbm:s3], $0xF7A  }
0x26: {  	[smem:$0x3F9F] =	sst s1;
	(tag) =	ssettag s2;
	_ =	strace s9  }
0x27: {  	s1 =	sld [smem:$0x3FAF]  }
0x28: {  	s2 =	sld [smem:$0x3FB0]  }
0x29: {  	s4 =	sld [smem:$0x3FB2]  }
0x2a: {  	p0 =	seq.s32 s5, $0x0;
	s5 =	sld [smem:$0x3FB3]  }
0x2b: {  	s6 =	sld [smem:$0x3FB4]  }
0x2c: {  	s7 =	sld [smem:$0x3FB5]  }
0x2d: {  	s3 =	simm.s32 $0x108;
	s8 =	sld [smem:$0x3FB6]  }
0x2e: {  	s3 =	simm.s32 @!p0 $0x1082;
	s9 =	sld [smem:$0x3FB7]  }
0x2f: {  	lr =	sadd.s32 s0, s3;
	s0 =	sld [smem:$0x3FAE]  }
0x30: {  	s3 =	sld [smem:$0x3FB1]  }
0x31: {  	[smem:$0x3FBA] =	sst s10  }
0x32: {  	s10 =	sld [smem:$0x3FB8];
	_ =	sdelay $0x3  }
0x33: {  	p0 =	seq.s32 s10, $0x1;
	s10 =	sld [smem:$0x3FBA];
	_ =	sdelay $0x3  }
0x34: {  	[smem:$0x3FBA] =	sst s10  }
0x35: {  	s10 =	sld [smem:$0x3FB9];
	_ =	sdelay $0x3  }
0x36: {  	p1 =	seq.s32 s10, $0x1;
	s10 =	sld [smem:$0x3FBA];
	_ =	sdelay $0x3  }
0x37: {  	[smem:$0x3FBA] =	sst s10  }
0x38: {  	s10 =	sld [smem:$0x3FBB]  }
0x39: {  	_ = 	snop;
	(pc) =	sbr.ind lr, $3  }
0x3a: {  	_ = 	snop  }
0x3b: {  	_ = 	snop  }
0x3c: {  	p2 =	seq.s32 s10, $0x1;
	s10 =	sld [smem:$0x3FBA]  }
0x3d: {  	_ =	shalt  }
0x3e: {  	_ =	shalt  }
0x3f: {  	_ =	shalt  }
0x40: {  	_ =	shalt  }
0x41: {  	_ =	shalt  }
0x42: {  	_ =	shalt  }
0x43: {  	_ =	shalt  }
0x44: {  	_ =	shalt  }
0x45: {  	_ =	shalt  }
0x46: {  	_ =	shalt  }
0x47: {  	_ =	shalt  }
0x48: {  	_ =	shalt  }
0x49: {  	_ =	shalt  }
0x4a: {  	_ =	shalt  }
0x4b: {  	_ =	shalt  }
0x4c: {  	_ =	shalt  }
0x4d: {  	_ =	shalt  }
0x4e: {  	_ =	shalt  }
0x4f: {  	_ =	shalt  }
0x50: {  	_ =	shalt  }
0x51: {  	_ =	shalt  }
0x52: {  	_ =	shalt  }
0x53: {  	_ =	shalt  }
0x54: {  	_ =	shalt  }
0x55: {  	_ =	shalt  }
0x56: {  	_ =	shalt  }
0x57: {  	_ =	shalt  }
0x58: {  	_ =	shalt  }
0x59: {  	_ =	shalt  }
0x5a: {  	_ =	shalt  }
0x5b: {  	_ =	shalt  }
0x5c: {  	_ =	shalt  }
0x5d: {  	_ =	shalt  }
0x5e: {  	_ =	shalt  }
0x5f: {  	_ =	shalt  }
0x60: {  	_ =	shalt  }
0x61: {  	_ =	shalt  }
0x62: {  	_ =	shalt  }
0x63: {  	_ =	shalt  }
0x64: {  	_ =	shalt  }
0x65: {  	_ =	shalt  }
0x66: {  	_ =	shalt  }
0x67: {  	_ =	shalt  }
0x68: {  	_ =	shalt  }
0x69: {  	_ =	shalt  }
0x6a: {  	_ =	shalt  }
0x6b: {  	_ =	shalt  }
0x6c: {  	_ =	shalt  }
0x6d: {  	_ =	shalt  }
0x6e: {  	_ =	shalt  }
0x6f: {  	_ =	shalt  }
0x70: {  	_ =	shalt  }
0x71: {  	_ =	shalt  }
0x72: {  	_ =	shalt  }
0x73: {  	_ =	shalt  }
0x74: {  	_ =	shalt  }
0x75: {  	_ =	shalt  }
0x76: {  	_ =	shalt  }
0x77: {  	_ =	shalt  }
0x78: {  	_ =	shalt  }
0x79: {  	_ =	shalt  }
0x7a: {  	_ =	shalt  }
0x7b: {  	_ =	shalt  }
0x7c: {  	_ =	shalt  }
0x7d: {  	_ =	shalt  }
0x7e: {  	_ =	shalt  }
0x7f: {  	_ =	shalt  }
0x80: {  	_ =	shalt  }
0x81: {  	_ =	shalt  }
0x82: {  	_ =	shalt  }
0x83: {  	_ =	shalt  }
0x84: {  	_ =	shalt  }
0x85: {  	_ =	shalt  }
0x86: {  	_ =	shalt  }
0x87: {  	_ =	shalt  }
.Lfunc_end0:
.L_simem_size_0:
called_computation_lowered:
.L_overlay_start_0:
0x88: {  	s2 =	sld [smem:$0x3FD9]  }
0x89: {  	s3 =	sld [smem:$0x3FFE];
	_ =	sdelay $0x1  }
0x8a: {  	s1 =	srdreg.scid  }
0x8b: {  	s0 =	sand.u32 $0x1, s1  }
0x8c: {  	s17 =	sshll.u32 s0, $0xA;
	s2 =	sadd.s32 s3, s2  }
0x8d: {  	s2 =	sadd.s32 s2, s17  }
0x8e: {  	[smem:$0x3FC6] =	sst s2  }
0x8f: {  	_ = 	snop  }
0x90: {  	s2 =	sld [smem:$0x3FC8]  }
0x91: {  	s18 =	sld [smem:$0x3FD0];
	(tm) =	ssettm $0x1  }
0x92: {  	s4 =	sld [smem:$0x3FFB];
	_ =	sdelay $0x3  }
0x93: {  	_ =	strace s4  }
0x94: {  	s4 =	sld [smem:$0x3FFC];
	_ =	sdelay $0x3  }
0x95: {  	_ =	strace s4  }
0x96: {  	s4 =	sld [smem:$0x3FFD];
	_ =	sdelay $0x3  }
0x97: {  	_ =	strace s4  }
0x98: {  	_ =	strace $0x8FFFFFFF  }
0x99: {  	s19 =	sld [smem:$0x3FDB];
	_ =	sdelay $0x1  }
0x9a: {  	s5 =	simm.s32 $_scs_section_size  }
0x9b: {  	s6 =	simm.s32 $_size__tile_overlayer_lowered;
	s7 =	simm.s32 $_tile_overlayer_lowered  }
0x9c: {  	s22 =	simm.s32 $0x1BFF;
	s21 =	sshll.u32 s7, $0x1;
	s4 =	sadd.s32 s5, s19  }
0x9d: {  	s8 =	simm.s32 $0x0;
	s20 =	sshll.u32 s6, $0x1;
	s6 =	sadd.s32 s21, s4  }
0x9e: {  	[timem:s8], [sflag:s22] =	dma.local [hbm:s6], s20  }
0x9f: {  	_ =	swait.ge [sflag:s22], s20  }
0xa0: {  	s5 =	ssub.s32 $0x0, s20;
	[sflag:s22] =	ssyncset.done $0x0  }
0xa1: {  	[sflag:s22] =	ssyncadd.s32 s5;
	_ =	sdelay $0x1  }
0xa2: {  	s23 =	simm.s32 $0x1B8B  }
0xa3: {  	_ =	swait.ge [sflag:s23], $0x1  }
0xa4: {  	[sflag:s23] =	ssyncset.done $0x0  }
0xa5: {  	s25 =	simm.s32 $0x1B8E;
	s24 =	sld [smem:$0x3FFE];
	[sflag:s23] =	ssyncadd.s32 $0xFFFFFFFF  }
0xa6: {  	s26 =	simm.s32 $execute0_lowered;
	[smem:$0x3FD2] =	sst s25  }
0xa7: {  	s6 =	sshll.u32 s26, $0x1;
	_ =	strace $0x80000046;
	[dreg:$0x1] =	wrdreg $0xFFFFFFFF  }
0xa8: {  	s28 =	simm.s32 $_size_execute0_lowered;
	s4 =	sadd.s32 s4, s6;
	[dreg:$0x0] =	wrdreg $0x0  }
0xa9: {  	s6 =	sshll.u32 s28, $0x1;
	[dreg:$0x2] =	wrdreg s4  }
0xaa: {  	[dreg:$0x3] =	wrdreg s6  }
0xab: {  	[dreg:$0x4] =	wrdreg $0xC0  }
0xac: {  	_ =	task [dreg:s8], $0x5FFFF  }
0xad: {  	[dreg:$0x1] =	wrdreg $0xFFFFFFFF  }
0xae: {  	[dreg:$0x0] =	wrdreg $0x60  }
0xaf: {  	[dreg:$0x2] =	wrdreg s24  }
0xb0: {  	[dreg:$0x3] =	wrdreg s2  }
0xb1: {  	[dreg:$0x4] =	wrdreg s18  }
0xb2: {  	[dreg:$0x5] =	wrdreg $0x9  }
0xb3: {  	_ =	task.clear_ibuf [dreg:s8], $0x6FFFF;
	_ =	strace $0x90000046  }
0xb4: {  	s29 =	simm.s32 $0x9;
	_ =	strace $0x80000048  }
0xb5: {  	_ =	swait.ge [sflag:s29], $0x1  }
0xb6: {  	[sflag:s29] =	ssyncadd.s32 $0xFFFFFFFF  }
0xb7: {  	_ =	strace $0x90000048  }
0xb8: {  	_ =	sfence  }
0xb9: {  	s30 =	sld [smem:$0x0];
	_ =	sdelay $0x2  }
0xba: {  	s31 =	sshll.u32 s1, $0xD;
	s1 =	sshrl.u32 s1, $0x2  }
0xbb: {  	s3 =	sand.u32 $0x4000, s31;
	s1 =	sadd.s32 s1, s30  }
0xbc: {  	s0 =	sor.u32 s3, s0;
	s1 =	sshll.u32 s1, $0x11  }
0xbd: {  	s0 =	sor.u32 s1, s0  }
0xbe: {  	s0 =	sadd.s32 $0x8F2B, s0  }
0xbf: {  	[sflag:s0] =	ssyncadd.remote.s32 $0x1  }
0xc0: {  	_ =	sfence.sel $0xFFFF  }
0xc1: {  	[dreg:$0x0] =	wrdreg $0xFFFFFFFF;
	(pc) =	sbr.abs _section_cstart, $3  }
0xc2: {  	[dreg:$0x1] =	wrdreg $0xFFFFFFFF  }
0xc3: {  	_ =	task.clear_ibuf [dreg:s8], $0x2FFFF;
	_ =	strace $0x9FFFFFFF  }
0xc4: {  	(tm) =	ssettm $0x7FFFFFFF  }
0xc5: {  	_ =	shalt  }
tec
execute0_lowered:
.L_overlay_start_1:
0x0: {  	(tag) =	ssettag $0x1  }
0x1: {  	s1 =	srdreg.scid  }
0x2: {  	s3 =	rddreg [dreg:$0x0];
	s0 =	stileid.u32;
	s28 =	sand.u32 $0x1, s1  }
0x3: {  	s24 =	rddreg [dreg:$0x1];
	s4 =	sshll.u32 s0, $0x8;
	s5 =	sshll.u32 s28, $0x7  }
0x4: {  	s26 =	rddreg [dreg:$0x2];
	s2 =	simm.s32 $0x0;
	s6 =	sor.u32 s5, s4  }
0x5: {  	[smem:$0x7FF] =	sst s2;
	s4 =	sshll.u32 s6, $0x4  }
0x6: {  	s1 =	rddreg [dreg:$0x3];
	_ =	strace $0x80000047;
	s3 =	sadd.s32 s4, s3  }
0x7: {  	s5 =	simm.s32 $0x5;
	s4 =	simm.s32 $0x8000;
	s3 =	sadd.s32 $0x400, s3  }
0x8: {  	[tilespmem:s4], [sflag:$0x5] =	stream.linear.gather [hbm4b:s3+s2], $0x4000, $0x38;
	[tilespmem:$0xC000] =	vst v63  }
0x9: {  	_ =	swait.ge [sflag:s5], $0x4000  }
0xa: {  	s25 =	sshll.u32 s6, $0x7;
	[sflag:s5] =	ssyncset.done $0x0  }
0xb: {  	s6 =	sadd.s32 s24, s25;
	[sflag:s5] =	ssyncadd.s32 $0xFFFFC000  }
0xc: {  	[tilespmem:s2], [sflag:$0x1] =	stream.linear.gather [hbm4b:s6+s2], $0x4000, $0x38;
	[tilespmem:$0xC000] =	vst v63  }
0xd: {  	s8 =	simm.s32 $0x4000;
	s9 =	simm.s32 $0x1;
	s7 =	sadd.s32 $0x800, s6  }
0xe: {  	[tilespmem:s8], [sflag:$0x2] =	stream.linear.gather [hbm4b:s7+s2], $0x4000, $0x38;
	[tilespmem:$0xC000] =	vst v63  }
0xf: {  	_ =	swait.ge [sflag:s9], $0x4000  }
0x10: {  	[sflag:s9] =	ssyncset.done $0x0  }
0x11: {  	s10 =	sadd.s32 s26, s25;
	[sflag:s9] =	ssyncadd.s32 $0xFFFFC000  }
0x12: {  	[hbm4b:s10+s2] =	stream.linear.scatter [tilespmem:s2], [sflag:$0x3], $0x4000, $0x38;
	[tilespmem:$0xC000] =	vst v63  }
0x13: {  	s12 =	simm.s32 $0x2;
	s11 =	sadd.s32 $0x1000, s6  }
0x14: {  	[tilespmem:s2], [sflag:$0x1] =	stream.linear.gather [hbm4b:s11+s2], $0x4000, $0x38;
	[tilespmem:$0xC000] =	vst v63  }
0x15: {  	_ =	swait.ge [sflag:s12], $0x4000  }
0x16: {  	[sflag:s12] =	ssyncset.done $0x0  }
0x17: {  	s19 =	sor.u32 $0x1800, s25;
	s13 =	sadd.s32 $0x800, s10;
	[sflag:s12] =	ssyncadd.s32 $0xFFFFC000  }
0x18: {  	[hbm4b:s13+s2] =	stream.linear.scatter [tilespmem:s8], [sflag:$0x4], $0x4000, $0x38;
	[tilespmem:$0xC000] =	vst v63  }
0x19: {  	s14 =	sadd.s32 s24, s19  }
0x1a: {  	[tilespmem:s8], [sflag:$0x2] =	stream.linear.gather [hbm4b:s14+s2], $0x4000, $0x38;
	[tilespmem:$0xC000] =	vst v63  }
0x1b: {  	_ =	swait.ge [sflag:s9], $0x4000  }
0x1c: {  	[sflag:s9] =	ssyncset.done $0x0  }
0x1d: {  	s15 =	simm.s32 $0x3;
	[sflag:s9] =	ssyncadd.s32 $0xFFFFC000  }
0x1e: {  	_ =	swait.ge [sflag:s15], $0x4000  }
0x1f: {  	[sflag:s15] =	ssyncset.done $0x0  }
0x20: {  	s16 =	sadd.s32 $0x1000, s10;
	[sflag:s15] =	ssyncadd.s32 $0xFFFFC000  }
0x21: {  	[hbm4b:s16+s2] =	stream.linear.scatter [tilespmem:s2], [sflag:$0x3], $0x4000, $0x38;
	[tilespmem:$0xC000] =	vst v63  }
0x22: {  	s17 =	sadd.s32 $0x2000, s6  }
0x23: {  	[tilespmem:s2], [sflag:$0x1] =	stream.linear.gather [hbm4b:s17+s2], $0x4000, $0x38;
	[tilespmem:$0xC000] =	vst v63  }
0x24: {  	_ =	swait.ge [sflag:s12], $0x4000  }
0x25: {  	[sflag:s12] =	ssyncset.done $0x0  }
0x26: {  	s18 =	simm.s32 $0x4;
	[sflag:s12] =	ssyncadd.s32 $0xFFFFC000  }
0x27: {  	_ =	swait.ge [sflag:s18], $0x4000  }
0x28: {  	[sflag:s18] =	ssyncset.done $0x0  }
0x29: {  	s23 =	sor.u32 $0x2800, s25;
	s19 =	sadd.s32 s26, s19;
	[sflag:s18] =	ssyncadd.s32 $0xFFFFC000  }
0x2a: {  	[hbm4b:s19+s2] =	stream.linear.scatter [tilespmem:s8], [sflag:$0x4], $0x4000, $0x38;
	[tilespmem:$0xC000] =	vst v63  }
0x2b: {  	s20 =	sadd.s32 s24, s23  }
0x2c: {  	[tilespmem:s8], [sflag:$0x2] =	stream.linear.gather [hbm4b:s20+s2], $0x4000, $0x38;
	[tilespmem:$0xC000] =	vst v63  }
0x2d: {  	_ =	swait.ge [sflag:s9], $0x4000  }
0x2e: {  	[sflag:s9] =	ssyncset.done $0x0  }
0x2f: {  	[sflag:s9] =	ssyncadd.s32 $0xFFFFC000  }
0x30: {  	_ =	swait.ge [sflag:s15], $0x4000  }
0x31: {  	[sflag:s15] =	ssyncset.done $0x0  }
0x32: {  	s21 =	sadd.s32 $0x2000, s10;
	[sflag:s15] =	ssyncadd.s32 $0xFFFFC000  }
0x33: {  	[hbm4b:s21+s2] =	stream.linear.scatter [tilespmem:s2], [sflag:$0x3], $0x4000, $0x38;
	[tilespmem:$0xC000] =	vst v63  }
0x34: {  	s22 =	sadd.s32 $0x3000, s6  }
0x35: {  	[tilespmem:s2], [sflag:$0x1] =	stream.linear.gather [hbm4b:s22+s2], $0x4000, $0x38;
	[tilespmem:$0xC000] =	vst v63  }
0x36: {  	_ =	swait.ge [sflag:s12], $0x4000  }
0x37: {  	[sflag:s12] =	ssyncset.done $0x0  }
0x38: {  	[sflag:s12] =	ssyncadd.s32 $0xFFFFC000  }
0x39: {  	_ =	swait.ge [sflag:s18], $0x4000  }
0x3a: {  	[sflag:s18] =	ssyncset.done $0x0  }
0x3b: {  	s29 =	sor.u32 $0x3800, s25;
	s23 =	sadd.s32 s26, s23;
	[sflag:s18] =	ssyncadd.s32 $0xFFFFC000  }
0x3c: {  	[hbm4b:s23+s2] =	stream.linear.scatter [tilespmem:s8], [sflag:$0x4], $0x4000, $0x38;
	[tilespmem:$0xC000] =	vst v63  }
0x3d: {  	s24 =	sadd.s32 s24, s29  }
0x3e: {  	[tilespmem:s8], [sflag:$0x2] =	stream.linear.gather [hbm4b:s24+s2], $0x4000, $0x38;
	[tilespmem:$0xC000] =	vst v63  }
0x3f: {  	_ =	swait.ge [sflag:s9], $0x4000  }
0x40: {  	[sflag:s9] =	ssyncset.done $0x0  }
0x41: {  	[sflag:s9] =	ssyncadd.s32 $0xFFFFC000  }
0x42: {  	_ =	swait.ge [sflag:s15], $0x4000  }
0x43: {  	[sflag:s15] =	ssyncset.done $0x0  }
0x44: {  	s25 =	sadd.s32 $0x3000, s10;
	[sflag:s15] =	ssyncadd.s32 $0xFFFFC000  }
0x45: {  	[hbm4b:s25+s2] =	stream.linear.scatter [tilespmem:s2], [sflag:$0x3], $0x4000, $0x38;
	[tilespmem:$0xC000] =	vst v63  }
0x46: {  	_ =	swait.ge [sflag:s12], $0x4000  }
0x47: {  	s28 =	ssub.s32 $0x2, s28;
	[sflag:s12] =	ssyncset.done $0x0  }
0x48: {  	s31 =	sshrl.u32 s28, $0x1;
	[sflag:s12] =	ssyncadd.s32 $0xFFFFC000  }
0x49: {  	s28 =	ssub.s32 s28, s31;
	_ =	swait.ge [sflag:s18], $0x4000  }
0x4a: {  	s28 =	smax.u32 s28, $0x1;
	[sflag:s18] =	ssyncset.done $0x0  }
0x4b: {  	s26 =	sadd.s32 s26, s29;
	p0 =	sne.s32 s28, $0x1;
	[sflag:s18] =	ssyncadd.s32 $0xFFFFC000  }
0x4c: {  	[hbm4b:s26+s2] =	stream.linear.scatter [tilespmem:s8], [sflag:$0x4], $0x4000, $0x38;
	[tilespmem:$0xC000] =	vst v63  }
.Ltmp0:
0x4d: {  	_ =	swait.ge [sflag:s15], $0x4000;
	(pc) =	sbr.rel @!p0 .LBB2_2-.Ltmp0, $4  }
0x4e: {  	[sflag:s15] =	ssyncset.done $0x0  }
0x4f: {  	[sflag:s15] =	ssyncadd.s32 $0xFFFFC000  }
0x50: {  	_ =	swait.ge [sflag:s18], $0x4000  }
0x51: {  	s28 =	sadd.s32 $0xFFFFFFFF, s28;
	[sflag:s18] =	ssyncset.done $0x0  }
.LBB2_1:
0x52: {  	p0 =	sne.s32 s28, $0x1;
	s28 =	sadd.s32 $0xFFFFFFFF, s28;
	[sflag:s18] =	ssyncadd.s32 $0xFFFFC000  }
0x53: {  	[tilespmem:s4], [sflag:$0x5] =	stream.linear.gather [hbm4b:s3+s2], $0x4000, $0x38;
	[tilespmem:$0xC000] =	vst v63  }
0x54: {  	_ =	swait.ge [sflag:s5], $0x4000  }
0x55: {  	[sflag:s5] =	ssyncset.done $0x0  }
0x56: {  	[sflag:s5] =	ssyncadd.s32 $0xFFFFC000  }
0x57: {  	[tilespmem:s2], [sflag:$0x1] =	stream.linear.gather [hbm4b:s6+s2], $0x4000, $0x38;
	[tilespmem:$0xC000] =	vst v63  }
0x58: {  	_ = 	snop  }
0x59: {  	[tilespmem:s8], [sflag:$0x2] =	stream.linear.gather [hbm4b:s7+s2], $0x4000, $0x38;
	[tilespmem:$0xC000] =	vst v63  }
0x5a: {  	_ =	swait.ge [sflag:s9], $0x4000  }
0x5b: {  	[sflag:s9] =	ssyncset.done $0x0  }
0x5c: {  	[sflag:s9] =	ssyncadd.s32 $0xFFFFC000  }
0x5d: {  	[hbm4b:s10+s2] =	stream.linear.scatter [tilespmem:s2], [sflag:$0x3], $0x4000, $0x38;
	[tilespmem:$0xC000] =	vst v63  }
0x5e: {  	_ = 	snop  }
0x5f: {  	[tilespmem:s2], [sflag:$0x1] =	stream.linear.gather [hbm4b:s11+s2], $0x4000, $0x38;
	[tilespmem:$0xC000] =	vst v63  }
0x60: {  	_ =	swait.ge [sflag:s12], $0x4000  }
0x61: {  	[sflag:s12] =	ssyncset.done $0x0  }
0x62: {  	[sflag:s12] =	ssyncadd.s32 $0xFFFFC000  }
0x63: {  	[hbm4b:s13+s2] =	stream.linear.scatter [tilespmem:s8], [sflag:$0x4], $0x4000, $0x38;
	[tilespmem:$0xC000] =	vst v63  }
0x64: {  	_ = 	snop  }
0x65: {  	[tilespmem:s8], [sflag:$0x2] =	stream.linear.gather [hbm4b:s14+s2], $0x4000, $0x38;
	[tilespmem:$0xC000] =	vst v63  }
0x66: {  	_ =	swait.ge [sflag:s9], $0x4000  }
0x67: {  	[sflag:s9] =	ssyncset.done $0x0  }
0x68: {  	[sflag:s9] =	ssyncadd.s32 $0xFFFFC000  }
0x69: {  	_ =	swait.ge [sflag:s15], $0x4000  }
0x6a: {  	[sflag:s15] =	ssyncset.done $0x0  }
0x6b: {  	[sflag:s15] =	ssyncadd.s32 $0xFFFFC000  }
0x6c: {  	[hbm4b:s16+s2] =	stream.linear.scatter [tilespmem:s2], [sflag:$0x3], $0x4000, $0x38;
	[tilespmem:$0xC000] =	vst v63  }
0x6d: {  	_ = 	snop  }
0x6e: {  	[tilespmem:s2], [sflag:$0x1] =	stream.linear.gather [hbm4b:s17+s2], $0x4000, $0x38;
	[tilespmem:$0xC000] =	vst v63  }
0x6f: {  	_ =	swait.ge [sflag:s12], $0x4000  }
0x70: {  	[sflag:s12] =	ssyncset.done $0x0  }
0x71: {  	[sflag:s12] =	ssyncadd.s32 $0xFFFFC000  }
0x72: {  	_ =	swait.ge [sflag:s18], $0x4000  }
0x73: {  	[sflag:s18] =	ssyncset.done $0x0  }
0x74: {  	[sflag:s18] =	ssyncadd.s32 $0xFFFFC000  }
0x75: {  	[hbm4b:s19+s2] =	stream.linear.scatter [tilespmem:s8], [sflag:$0x4], $0x4000, $0x38;
	[tilespmem:$0xC000] =	vst v63  }
0x76: {  	_ = 	snop  }
0x77: {  	[tilespmem:s8], [sflag:$0x2] =	stream.linear.gather [hbm4b:s20+s2], $0x4000, $0x38;
	[tilespmem:$0xC000] =	vst v63  }
0x78: {  	_ =	swait.ge [sflag:s9], $0x4000  }
0x79: {  	[sflag:s9] =	ssyncset.done $0x0  }
0x7a: {  	[sflag:s9] =	ssyncadd.s32 $0xFFFFC000  }
0x7b: {  	_ =	swait.ge [sflag:s15], $0x4000  }
0x7c: {  	[sflag:s15] =	ssyncset.done $0x0  }
0x7d: {  	[sflag:s15] =	ssyncadd.s32 $0xFFFFC000  }
0x7e: {  	[hbm4b:s21+s2] =	stream.linear.scatter [tilespmem:s2], [sflag:$0x3], $0x4000, $0x38;
	[tilespmem:$0xC000] =	vst v63  }
0x7f: {  	_ = 	snop  }
0x80: {  	[tilespmem:s2], [sflag:$0x1] =	stream.linear.gather [hbm4b:s22+s2], $0x4000, $0x38;
	[tilespmem:$0xC000] =	vst v63  }
0x81: {  	_ =	swait.ge [sflag:s12], $0x4000  }
0x82: {  	[sflag:s12] =	ssyncset.done $0x0  }
0x83: {  	[sflag:s12] =	ssyncadd.s32 $0xFFFFC000  }
0x84: {  	_ =	swait.ge [sflag:s18], $0x4000  }
0x85: {  	[sflag:s18] =	ssyncset.done $0x0  }
0x86: {  	[sflag:s18] =	ssyncadd.s32 $0xFFFFC000  }
0x87: {  	[hbm4b:s23+s2] =	stream.linear.scatter [tilespmem:s8], [sflag:$0x4], $0x4000, $0x38;
	[tilespmem:$0xC000] =	vst v63  }
0x88: {  	_ = 	snop  }
0x89: {  	[tilespmem:s8], [sflag:$0x2] =	stream.linear.gather [hbm4b:s24+s2], $0x4000, $0x38;
	[tilespmem:$0xC000] =	vst v63  }
0x8a: {  	_ =	swait.ge [sflag:s9], $0x4000  }
0x8b: {  	[sflag:s9] =	ssyncset.done $0x0  }
0x8c: {  	[sflag:s9] =	ssyncadd.s32 $0xFFFFC000  }
0x8d: {  	_ =	swait.ge [sflag:s15], $0x4000  }
0x8e: {  	[sflag:s15] =	ssyncset.done $0x0  }
0x8f: {  	[sflag:s15] =	ssyncadd.s32 $0xFFFFC000  }
0x90: {  	[hbm4b:s25+s2] =	stream.linear.scatter [tilespmem:s2], [sflag:$0x3], $0x4000, $0x38;
	[tilespmem:$0xC000] =	vst v63  }
0x91: {  	_ =	swait.ge [sflag:s12], $0x4000  }
0x92: {  	[sflag:s12] =	ssyncset.done $0x0  }
0x93: {  	[sflag:s12] =	ssyncadd.s32 $0xFFFFC000  }
0x94: {  	_ =	swait.ge [sflag:s18], $0x4000  }
0x95: {  	[sflag:s18] =	ssyncset.done $0x0  }
0x96: {  	[sflag:s18] =	ssyncadd.s32 $0xFFFFC000  }
0x97: {  	[hbm4b:s26+s2] =	stream.linear.scatter [tilespmem:s8], [sflag:$0x4], $0x4000, $0x38;
	[tilespmem:$0xC000] =	vst v63  }
.Ltmp1:
0x98: {  	_ =	swait.ge [sflag:s15], $0x4000;
	(pc) =	sbr.rel @p0 .LBB2_1-.Ltmp1, $4  }
0x99: {  	[sflag:s15] =	ssyncset.done $0x0  }
0x9a: {  	[sflag:s15] =	ssyncadd.s32 $0xFFFFC000  }
0x9b: {  	_ =	swait.ge [sflag:s18], $0x4000  }
0x9c: {  	[sflag:s18] =	ssyncset.done $0x0  }
.LBB2_2:
0x9d: {  	[sflag:s18] =	ssyncadd.s32 $0xFFFFC000  }
0x9e: {  	_ =	sfence.sel $0x180000  }
0x9f: {  	[bflag:$0x0] =	sbarrier.arrive $0xFFFF  }
0xa0: {  	p0 =	sne.s32 s0, $0x0;
	_ =	strace $0x90000047  }
0xa1: {  	s0 =	sadd.s32 @!p0 $0x100000, s1;
	[bflag:$0x2] =	sbarrier.arrive $0xFFFF  }
0xa2: {  	[sflag:s0] =	ssyncadd.tile.s32 @!p0 $0x1;
	_ =	shalt  }
.Lfunc_end2:
_tile_overlayer_lowered:
.L_overlay_start_2:
0xa3: {  	(tag) =	ssettag $0x2  }
0xa4: {  	s0 =	rddreg [dreg:$0x0];
	s2 =	stileid.u32  }
0xa5: {  	s1 =	rddreg [dreg:$0x1];
	p0 =	sne.s32 s2, $0x0  }
0xa6: {  	s3 =	rddreg [dreg:$0x2];
	[bflag:$0x3] =	sbarrier.arrive $0xFFFF;
	s2 =	simm.s32 @!p0 $0x1C05  }
0xa7: {  	[timem:s3], [sflag:s2] =	dma.local @!p0 [hbm:s0], s1  }
0xa8: {  	s0 =	simm.s32 @!p0 $0x5  }
0xa9: {  	_ =	swait.ge @!p0 [sflag:s0], s1  }
0xaa: {  	s1 =	ssub.s32 @!p0 $0x0, s1;
	[sflag:s0] =	ssyncset.done @!p0 $0x0  }
0xab: {  	[sflag:s0] =	ssyncadd.s32 @!p0 s1  }
0xac: {  	[bflag:$0x3] =	sbarrier.arrive $0xFFFF  }
0xad: {  	_ =	shalt  }

</sc_bundles>
